<compile_context>
chip_gen: v7x
topology: tpu7x:2x2x1
jax: 0.10.2.dev20260603
libtpu: 0.0.44.dev20260713+nightly
codegen_flags: <defaults>
</compile_context>

<pallas_src>
import functools

import jax
import jax.numpy as jnp
from jax import lax
from jax.experimental import pallas as pl
from jax.experimental.pallas import tpu as pltpu
from jax.experimental.pallas import tpu_sc as plsc

N = 10000
E = 320000
D = 128
DE = 16
D2 = 2 * D
DI = D2 // 2

NC = 2
NS = 16
NW = NC * NS
CH = 80
N_PAD = 10240
ROWS_PER_SUB = N_PAD // NS

SPLIT = 158720
BE_A = 1984
BE_B = 2016

@functools.cache
def _vec_mesh():
    return plsc.VectorSubcoreMesh(core_axis_name="c", subcore_axis_name="s")


def _pack_bf16_pair(f_lo, f_hi):
    b_lo = pltpu.bitcast(f_lo, jnp.uint32)
    b_hi = pltpu.bitcast(f_hi, jnp.uint32)
    r_lo = (b_lo + jnp.uint32(0x7FFF) + ((b_lo >> 16) & jnp.uint32(1))) >> 16
    r_hi = (b_hi + jnp.uint32(0x7FFF) + ((b_hi >> 16) & jnp.uint32(1))) >> 16
    return pltpu.bitcast((r_hi << 16) | r_lo, jnp.int32)


def _proj_body(x_ref, wsrc_ref, wdst_ref, usrc_ref, udst_ref):
    x = x_ref[...]
    us = jnp.dot(x, wsrc_ref[...], preferred_element_type=jnp.float32)
    ud = jnp.dot(x, wdst_ref[...], preferred_element_type=jnp.float32)
    usrc_ref[:N, :] = _pack_bf16_pair(us[:, :D], us[:, D:])
    udst_ref[:N, :] = _pack_bf16_pair(ud[:, :D], ud[:, D:])


def _node_projections(x, w_src, w_dst):
    return pl.pallas_call(
        _proj_body,
        out_shape=[jax.ShapeDtypeStruct((N_PAD, D), jnp.int32)] * 2,
    )(x, w_src, w_dst)


def _gather_body(epw, nch, usrc_hbm, udst_hbm, src_hbm, dst_hbm, gs_hbm, gd_hbm,
                 idx_s, idx_d, buf_s, buf_d, tab_s, sem_s, sem_d):
    cid = lax.axis_index("c")
    sid = lax.axis_index("s")
    pltpu.sync_copy(usrc_hbm.at[pl.ds(sid * ROWS_PER_SUB, ROWS_PER_SUB)],
                    tab_s.at[pl.ds(sid * ROWS_PER_SUB, ROWS_PER_SUB)])
    plsc.subcore_barrier()

    wid = sid * NC + cid
    base = wid * epw

    @pl.loop(0, nch)
    def _(ci):
        off = base + ci * CH
        pltpu.sync_copy(src_hbm.at[pl.ds(off, CH)], idx_s)
        pltpu.sync_copy(dst_hbm.at[pl.ds(off, CH)], idx_d)
        cp_s = pltpu.async_copy(tab_s.at[idx_s], buf_s, sem_s)
        cp_d = pltpu.async_copy(udst_hbm.at[idx_d], buf_d, sem_d)
        cp_s.wait()
        cp_d.wait()
        pltpu.sync_copy(buf_s, gs_hbm.at[pl.ds(off, CH)])
        pltpu.sync_copy(buf_d, gd_hbm.at[pl.ds(off, CH)])


@functools.cache
def _make_sc_gather(ne):
    epw = ne // NW
    nch = epw // CH

    @jax.jit
    def go(u_src, u_dst, src, dst):
        k = pl.kernel(
            functools.partial(_gather_body, epw, nch),
            out_type=[jax.ShapeDtypeStruct((ne, D), jnp.int32)] * 2,
            mesh=_vec_mesh(),
            scratch_types=[
                pltpu.VMEM((CH,), jnp.int32),
                pltpu.VMEM((CH,), jnp.int32),
                pltpu.VMEM((CH, D), jnp.int32),
                pltpu.VMEM((CH, D), jnp.int32),
                pltpu.VMEM_SHARED((N_PAD, D), jnp.int32),
                pltpu.SemaphoreType.DMA,
                pltpu.SemaphoreType.DMA,
            ],
        )
        return k(u_src, u_dst, src, dst)

    return go


BE = 2000


def _unpack_bf16_pair(packed):
    u = pltpu.bitcast(packed, jnp.uint32)
    f_lo = pltpu.bitcast(u << 16, jnp.float32)
    f_hi = pltpu.bitcast(u & jnp.uint32(0xFFFF0000), jnp.float32)
    return f_lo, f_hi


def _edge_body(gs_ref, gd_ref, ea_ref, wcs_ref, wcp_ref, bs_ref, bp_ref, m_ref):
    ea = ea_ref[...]
    c_sig = jnp.dot(ea, wcs_ref[...], preferred_element_type=jnp.float32)
    c_sp = jnp.dot(ea, wcp_ref[...], preferred_element_type=jnp.float32)
    gs_sig, gs_sp = _unpack_bf16_pair(gs_ref[...])
    gd_sig, gd_sp = _unpack_bf16_pair(gd_ref[...])
    sig_in = gs_sig + gd_sig + c_sig + bs_ref[...]
    sp_in = gs_sp + gd_sp + c_sp + bp_ref[...]
    gate = 1.0 / (1.0 + jnp.exp(-sig_in))
    sp = jnp.maximum(sp_in, 0.0) + jnp.log1p(jnp.exp(-jnp.abs(sp_in)))
    m_ref[...] = gate * sp


def _edge_messages(gs, gd, ea, wc_sig, wc_sp, b_sig, b_sp, be):
    ne = gs.shape[0]
    grid = (ne // be,)
    return pl.pallas_call(
        _edge_body,
        grid=grid,
        in_specs=[
            pl.BlockSpec((be, D), lambda i: (i, 0)),
            pl.BlockSpec((be, D), lambda i: (i, 0)),
            pl.BlockSpec((be, DE), lambda i: (i, 0)),
            pl.BlockSpec((DE, D), lambda i: (0, 0)),
            pl.BlockSpec((DE, D), lambda i: (0, 0)),
            pl.BlockSpec((1, D), lambda i: (0, 0)),
            pl.BlockSpec((1, D), lambda i: (0, 0)),
        ],
        out_specs=pl.BlockSpec((be, D), lambda i: (i, 0)),
        out_shape=jax.ShapeDtypeStruct((ne, D), jnp.float32),
    )(gs, gd, ea, wc_sig, wc_sp, b_sig, b_sp)


def _scatter_body(epc, eps, m_hbm, dst_hbm, init_hbm, out_hbm,
                  idx_v, buf_v, acc_sh, sem):
    cid = lax.axis_index("c")
    sid = lax.axis_index("s")
    pltpu.sync_copy(init_hbm.at[cid].at[pl.ds(sid * ROWS_PER_SUB, ROWS_PER_SUB)],
                    acc_sh.at[pl.ds(sid * ROWS_PER_SUB, ROWS_PER_SUB)])
    plsc.subcore_barrier()

    base = cid * epc + sid * eps

    @pl.loop(0, eps // CH)
    def _(ci):
        off = base + ci * CH
        pltpu.sync_copy(dst_hbm.at[pl.ds(off, CH)], idx_v)
        cp = pltpu.async_copy(m_hbm.at[pl.ds(off, CH)], buf_v, sem)
        cp.wait()
        pltpu.sync_copy(buf_v, acc_sh.at[idx_v], add=True)

    plsc.subcore_barrier()
    pltpu.sync_copy(acc_sh.at[pl.ds(sid * ROWS_PER_SUB, ROWS_PER_SUB)],
                    out_hbm.at[cid].at[pl.ds(sid * ROWS_PER_SUB, ROWS_PER_SUB)])


@functools.cache
def _make_sc_scatter(ne):
    epc = ne // NC
    eps = epc // NS

    @jax.jit
    def go(m, dst, init_ncd):
        k = pl.kernel(
            functools.partial(_scatter_body, epc, eps),
            out_type=jax.ShapeDtypeStruct((NC, N_PAD, D), jnp.float32),
            mesh=_vec_mesh(),
            scratch_types=[
                pltpu.VMEM((CH,), jnp.int32),
                pltpu.VMEM((CH, D), jnp.float32),
                pltpu.VMEM_SHARED((N_PAD, D), jnp.float32),
                pltpu.SemaphoreType.DMA,
            ],
        )
        return k(m, dst, init_ncd)

    return go


def _bn_body(x_ref, p_ref, gamma_ref, beta_ref, o_ref):
    s = x_ref[...] + p_ref[0, :N] + p_ref[1, :N]
    mean = jnp.mean(s, axis=0, keepdims=True)
    var = jnp.mean(jnp.square(s - mean), axis=0, keepdims=True)
    o_ref[...] = (s - mean) * jax.lax.rsqrt(var + 1e-5) * gamma_ref[...] + beta_ref[...]


def _batchnorm(x, partials, gamma, beta):
    return pl.pallas_call(
        _bn_body,
        out_shape=jax.ShapeDtypeStruct((N, D), jnp.float32),
    )(x, partials, gamma, beta)


@jax.jit
def kernel(x, edge_index, edge_attr, W_sig, b_sig, W_sp, b_sp, gamma, beta):
    src = edge_index[0].astype(jnp.int32)
    dst = edge_index[1].astype(jnp.int32)

    w_src = jnp.concatenate([W_sig[:, :D].T, W_sp[:, :D].T], axis=1)
    w_dst = jnp.concatenate([W_sig[:, D:D2].T, W_sp[:, D:D2].T], axis=1)
    wc_sig = W_sig[:, D2:].T
    wc_sp = W_sp[:, D2:].T

    u_src, u_dst = _node_projections(x, w_src, w_dst)

    bs2 = b_sig.reshape(1, D)
    bp2 = b_sp.reshape(1, D)
    partials = jnp.zeros((NC, N_PAD, D), jnp.float32)
    ms = []
    for lo, hi, be in ((0, SPLIT, BE_A), (SPLIT, E, BE_B)):
        g = _make_sc_gather(hi - lo)(u_src, u_dst, src[lo:hi], dst[lo:hi])
        ms.append(_edge_messages(g[0], g[1], edge_attr[lo:hi],
                                 wc_sig, wc_sp, bs2, bp2, be))
    for (lo, hi), m in zip(((0, SPLIT), (SPLIT, E)), ms):
        partials = _make_sc_scatter(hi - lo)(m, dst[lo:hi], partials)
    return _batchnorm(x, partials, gamma.reshape(1, D), beta.reshape(1, D))

# --- scband reference (transcript-rebuilt; emitter-appended) ---
"""Pipeline reference for scband-cgcnnlayer-15573551415579 (READ-ONLY COPY).

The authoritative reference and input builder live on the scoring server;
editing this copy changes nothing except your own understanding.
"""

import jax, jax.numpy as jnp
import numpy as np

N = 10000
E = 320000
D = 128
DE = 16
Z = 2 * D + DE


def setup_inputs(seed: int = 0) -> dict:
    key = jax.random.key(seed)
    ks = jax.random.split(key, 9)
    x = jax.random.normal(ks[0], (N, D), dtype=jnp.float32)
    edge_index = jax.random.randint(ks[1], (2, E), 0, N, dtype=jnp.int64)
    edge_attr = jax.random.normal(ks[2], (E, DE), dtype=jnp.float32)
    # Linear params (torch nn.Linear: weight [out, in], bias [out])
    bound = 1.0 / np.sqrt(Z)
    W_sig = jax.random.uniform(ks[3], (D, Z), dtype=jnp.float32, minval=-bound, maxval=bound)
    b_sig = jax.random.uniform(ks[4], (D,), dtype=jnp.float32, minval=-bound, maxval=bound)
    W_sp = jax.random.uniform(ks[5], (D, Z), dtype=jnp.float32, minval=-bound, maxval=bound)
    b_sp = jax.random.uniform(ks[6], (D,), dtype=jnp.float32, minval=-bound, maxval=bound)
    gamma = jnp.ones((D,), dtype=jnp.float32)
    beta = jnp.zeros((D,), dtype=jnp.float32)
    return {"x": x, "edge_index": edge_index, "edge_attr": edge_attr,
            "W_sig": W_sig, "b_sig": b_sig, "W_sp": W_sp, "b_sp": b_sp,
            "gamma": gamma, "beta": beta}


def reference(x, edge_index, edge_attr, W_sig, b_sig, W_sp, b_sp, gamma, beta):
    src = edge_index[0]
    dst = edge_index[1]
    # message_func: z = cat([src_x, dst_x, edge_attr])
    z = jnp.concatenate([jnp.take(x, src, axis=0), jnp.take(x, dst, axis=0), edge_attr], axis=1)
    gated_z = jax.nn.sigmoid(z @ W_sig.T + b_sig)
    message_z = jax.nn.softplus(z @ W_sp.T + b_sp)
    # reduce_func: sum over incoming edges at dst
    agg = jax.ops.segment_sum(gated_z * message_z, dst, num_segments=x.shape[0])
    new_h = x + agg
    # BatchNorm1d (training mode, batch statistics, biased variance)
    mean = jnp.mean(new_h, axis=0)
    var = jnp.var(new_h, axis=0)
    new_h = (new_h - mean) / jnp.sqrt(var + 1e-5) * gamma + beta
    return new_h

if __name__ == "__main__":
    import jax
    _d = setup_inputs()
    print(jax.jit(kernel)(*tuple(_d.values())))

</pallas_src>

<mosaic_0001>
#map = affine_map<(d0, d1) -> (0, 0)>
#map1 = affine_map<(d0, d1) -> (0)>
module attributes {stable_mosaic.version = 14 : i64} {
  func.func @_gather_body(%arg0: i32, %arg1: i32, %arg2: memref<10240x128xi32, #tpu.memory_space<hbm>>, %arg3: memref<10240x128xi32, #tpu.memory_space<hbm>>, %arg4: memref<158720xi32, #tpu.memory_space<hbm>>, %arg5: memref<158720xi32, #tpu.memory_space<hbm>>, %arg6: memref<158720x128xi32, #tpu.memory_space<hbm>>, %arg7: memref<158720x128xi32, #tpu.memory_space<hbm>>, %arg8: memref<80xi32, #tpu.memory_space<vmem>>, %arg9: memref<80xi32, #tpu.memory_space<vmem>>, %arg10: memref<80x128xi32, #tpu.memory_space<vmem>>, %arg11: memref<80x128xi32, #tpu.memory_space<vmem>>, %arg12: memref<10240x128xi32, #tpu.memory_space<vmem_shared>>, %arg13: memref<!tpu.dma_semaphore, #tpu.memory_space<semaphore_mem>>, %arg14: memref<!tpu.dma_semaphore, #tpu.memory_space<semaphore_mem>>) attributes {dimension_semantics = [#tpu.dimension_semantics<core_parallel>, #tpu.dimension_semantics<subcore_parallel>], iteration_bounds = array<i64: 2, 16>, scalar_prefetch = 0 : i64, scratch_operands = 7 : i64, tpu.core_type = #tpu.core_type<sc_vector_subcore>, window_params = [{transform_indices = #map}, {transform_indices = #map}, {transform_indices = #map1}, {transform_indices = #map1}, {transform_indices = #map}, {transform_indices = #map}]} {
    %mul3A = arith.constant 640 : i32
    %mul3A_0 = arith.muli %arg1, %mul3A : i32
    %mul3A_1 = arith.constant 640 : i32
    %mul3A_2 = arith.muli %arg1, %mul3A_1 : i32
    "tpu.region"() ({
      %run_scoped3A = tpu.sem_alloc : memref<!tpu.dma_semaphore, #tpu.memory_space<semaphore_mem>>
      %dma_start3A = arith.constant 0 : i32
      %dma_start3A_11 = tpu.memref_slice %arg12[%mul3A_2, %dma_start3A] : memref<10240x128xi32, #tpu.memory_space<vmem_shared>> -> memref<640x128xi32, #tpu.memory_space<vmem_shared>>
      %dma_start3A_12 = arith.constant 0 : i32
      %dma_start3A_13 = tpu.memref_slice %arg2[%mul3A_0, %dma_start3A_12] : memref<10240x128xi32, #tpu.memory_space<hbm>> -> memref<640x128xi32, #tpu.memory_space<hbm>>
      tpu.enqueue_dma source(%dma_start3A_13 : memref<640x128xi32, #tpu.memory_space<hbm>>) target(%dma_start3A_11 : memref<640x128xi32, #tpu.memory_space<vmem_shared>>) target_semaphore(%run_scoped3A : memref<!tpu.dma_semaphore, #tpu.memory_space<semaphore_mem>>)
      %dma_wait3A = arith.constant 0 : i32
      %dma_wait3A_14 = tpu.memref_slice %arg12[%mul3A_2, %dma_wait3A] : memref<10240x128xi32, #tpu.memory_space<vmem_shared>> -> memref<640x128xi32, #tpu.memory_space<vmem_shared>>
      %dma_wait3A_15 = arith.constant 0 : i32
      %dma_wait3A_16 = tpu.memref_slice %arg2[%mul3A_0, %dma_wait3A_15] : memref<10240x128xi32, #tpu.memory_space<hbm>> -> memref<640x128xi32, #tpu.memory_space<hbm>>
      tpu.wait_dma2 semaphore(%run_scoped3A : memref<!tpu.dma_semaphore, #tpu.memory_space<semaphore_mem>>) src(%dma_wait3A_16 : memref<640x128xi32, #tpu.memory_space<hbm>>) dst(%dma_wait3A_14 : memref<640x128xi32, #tpu.memory_space<vmem_shared>>)
      tpu.yield
    }) : () -> ()
    %barrier3A = arith.constant 0 : index
    tpu.barrier barrier_id(%barrier3A)
    %mul3A_3 = arith.constant 2 : i32
    %mul3A_4 = arith.muli %arg1, %mul3A_3 : i32
    %add3A = arith.addi %mul3A_4, %arg0 : i32
    %mul3A_5 = arith.constant 4960 : i32
    %mul3A_6 = arith.muli %add3A, %mul3A_5 : i32
    %scan3A = arith.constant 0 : i32
    %scan3A_7 = arith.constant 62 : i32
    %scan3A_8 = arith.addi %scan3A, %scan3A_7 : i32
    %scan3A_9 = arith.constant 1 : i32
    scf.for %scan3A_11 = %scan3A to %scan3A_8 step %scan3A_9  : i32 {
      %mul3A_12 = arith.constant 1 : i32
      %mul3A_13 = arith.muli %scan3A_11, %mul3A_12 : i32
      %add3A_14 = arith.constant 0 : i32
      %add3A_15 = arith.addi %add3A_14, %mul3A_13 : i32
      %mul3A_16 = arith.constant 80 : i32
      %mul3A_17 = arith.muli %add3A_15, %mul3A_16 : i32
      %add3A_18 = arith.addi %mul3A_6, %mul3A_17 : i32
      "tpu.region"() ({
        %run_scoped3A = tpu.sem_alloc : memref<!tpu.dma_semaphore, #tpu.memory_space<semaphore_mem>>
        %dma_start3A_29 = tpu.memref_slice %arg4[%add3A_18] : memref<158720xi32, #tpu.memory_space<hbm>> -> memref<80xi32, #tpu.memory_space<hbm>>
        %dma_start3A_30 = tpu.memref_slice %arg4[%add3A_18] : memref<158720xi32, #tpu.memory_space<hbm>> -> memref<80xi32, #tpu.memory_space<hbm>>
        tpu.enqueue_dma source(%dma_start3A_30 : memref<80xi32, #tpu.memory_space<hbm>>) target(%arg8 : memref<80xi32, #tpu.memory_space<vmem>>) target_semaphore(%run_scoped3A : memref<!tpu.dma_semaphore, #tpu.memory_space<semaphore_mem>>)
        %dma_wait3A_31 = tpu.memref_slice %arg4[%add3A_18] : memref<158720xi32, #tpu.memory_space<hbm>> -> memref<80xi32, #tpu.memory_space<hbm>>
        %dma_wait3A_32 = tpu.memref_slice %arg4[%add3A_18] : memref<158720xi32, #tpu.memory_space<hbm>> -> memref<80xi32, #tpu.memory_space<hbm>>
        tpu.wait_dma2 semaphore(%run_scoped3A : memref<!tpu.dma_semaphore, #tpu.memory_space<semaphore_mem>>) src(%dma_wait3A_32 : memref<80xi32, #tpu.memory_space<hbm>>) dst(%arg8 : memref<80xi32, #tpu.memory_space<vmem>>)
        tpu.yield
      }) : () -> ()
      "tpu.region"() ({
        %run_scoped3A = tpu.sem_alloc : memref<!tpu.dma_semaphore, #tpu.memory_space<semaphore_mem>>
        %dma_start3A_29 = tpu.memref_slice %arg5[%add3A_18] : memref<158720xi32, #tpu.memory_space<hbm>> -> memref<80xi32, #tpu.memory_space<hbm>>
        %dma_start3A_30 = tpu.memref_slice %arg5[%add3A_18] : memref<158720xi32, #tpu.memory_space<hbm>> -> memref<80xi32, #tpu.memory_space<hbm>>
        tpu.enqueue_dma source(%dma_start3A_30 : memref<80xi32, #tpu.memory_space<hbm>>) target(%arg9 : memref<80xi32, #tpu.memory_space<vmem>>) target_semaphore(%run_scoped3A : memref<!tpu.dma_semaphore, #tpu.memory_space<semaphore_mem>>)
        %dma_wait3A_31 = tpu.memref_slice %arg5[%add3A_18] : memref<158720xi32, #tpu.memory_space<hbm>> -> memref<80xi32, #tpu.memory_space<hbm>>
        %dma_wait3A_32 = tpu.memref_slice %arg5[%add3A_18] : memref<158720xi32, #tpu.memory_space<hbm>> -> memref<80xi32, #tpu.memory_space<hbm>>
        tpu.wait_dma2 semaphore(%run_scoped3A : memref<!tpu.dma_semaphore, #tpu.memory_space<semaphore_mem>>) src(%dma_wait3A_32 : memref<80xi32, #tpu.memory_space<hbm>>) dst(%arg9 : memref<80xi32, #tpu.memory_space<vmem>>)
        tpu.yield
      }) : () -> ()
      %dma_start3A = arith.constant 0 : i32
      %dma_start3A_19 = arith.constant 0 : i32
      %dma_start3A_20 = tpu.memref_slice %arg12[%dma_start3A, %dma_start3A_19] : memref<10240x128xi32, #tpu.memory_space<vmem_shared>> -> memref<10240x128xi32, #tpu.memory_space<vmem_shared>>
      tpu.enqueue_indirect_dma source(%dma_start3A_20 : memref<10240x128xi32, #tpu.memory_space<vmem_shared>>) target(%arg10 : memref<80x128xi32, #tpu.memory_space<vmem>>) offsets(%arg8 : memref<80xi32, #tpu.memory_space<vmem>>) semaphore(%arg13 : memref<!tpu.dma_semaphore, #tpu.memory_space<semaphore_mem>>)
      %dma_start3A_21 = arith.constant 0 : i32
      %dma_start3A_22 = arith.constant 0 : i32
      %dma_start3A_23 = tpu.memref_slice %arg3[%dma_start3A_21, %dma_start3A_22] : memref<10240x128xi32, #tpu.memory_space<hbm>> -> memref<10240x128xi32, #tpu.memory_space<hbm>>
      tpu.enqueue_indirect_dma source(%dma_start3A_23 : memref<10240x128xi32, #tpu.memory_space<hbm>>) target(%arg11 : memref<80x128xi32, #tpu.memory_space<vmem>>) offsets(%arg9 : memref<80xi32, #tpu.memory_space<vmem>>) semaphore(%arg14 : memref<!tpu.dma_semaphore, #tpu.memory_space<semaphore_mem>>)
      %dma_wait3A = arith.constant 0 : i32
      %dma_wait3A_24 = arith.constant 0 : i32
      %dma_wait3A_25 = tpu.memref_slice %arg12[%dma_wait3A, %dma_wait3A_24] : memref<10240x128xi32, #tpu.memory_space<vmem_shared>> -> memref<10240x128xi32, #tpu.memory_space<vmem_shared>>
      tpu.wait_indirect_dma semaphore(%arg13 : memref<!tpu.dma_semaphore, #tpu.memory_space<semaphore_mem>>) src(%dma_wait3A_25 : memref<10240x128xi32, #tpu.memory_space<vmem_shared>>) dst(%arg10 : memref<80x128xi32, #tpu.memory_space<vmem>>)
      %dma_wait3A_26 = arith.constant 0 : i32
      %dma_wait3A_27 = arith.constant 0 : i32
      %dma_wait3A_28 = tpu.memref_slice %arg3[%dma_wait3A_26, %dma_wait3A_27] : memref<10240x128xi32, #tpu.memory_space<hbm>> -> memref<10240x128xi32, #tpu.memory_space<hbm>>
      tpu.wait_indirect_dma semaphore(%arg14 : memref<!tpu.dma_semaphore, #tpu.memory_space<semaphore_mem>>) src(%dma_wait3A_28 : memref<10240x128xi32, #tpu.memory_space<hbm>>) dst(%arg11 : memref<80x128xi32, #tpu.memory_space<vmem>>)
      "tpu.region"() ({
        %run_scoped3A = tpu.sem_alloc : memref<!tpu.dma_semaphore, #tpu.memory_space<semaphore_mem>>
        %dma_start3A_29 = arith.constant 0 : i32
        %dma_start3A_30 = tpu.memref_slice %arg6[%add3A_18, %dma_start3A_29] : memref<158720x128xi32, #tpu.memory_space<hbm>> -> memref<80x128xi32, #tpu.memory_space<hbm>>
        %dma_start3A_31 = arith.constant 0 : i32
        %dma_start3A_32 = tpu.memref_slice %arg6[%add3A_18, %dma_start3A_31] : memref<158720x128xi32, #tpu.memory_space<hbm>> -> memref<80x128xi32, #tpu.memory_space<hbm>>
        tpu.enqueue_dma source(%arg10 : memref<80x128xi32, #tpu.memory_space<vmem>>) target(%dma_start3A_32 : memref<80x128xi32, #tpu.memory_space<hbm>>) target_semaphore(%run_scoped3A : memref<!tpu.dma_semaphore, #tpu.memory_space<semaphore_mem>>)
        %dma_wait3A_33 = arith.constant 0 : i32
        %dma_wait3A_34 = tpu.memref_slice %arg6[%add3A_18, %dma_wait3A_33] : memref<158720x128xi32, #tpu.memory_space<hbm>> -> memref<80x128xi32, #tpu.memory_space<hbm>>
        %dma_wait3A_35 = arith.constant 0 : i32
        %dma_wait3A_36 = tpu.memref_slice %arg6[%add3A_18, %dma_wait3A_35] : memref<158720x128xi32, #tpu.memory_space<hbm>> -> memref<80x128xi32, #tpu.memory_space<hbm>>
        tpu.wait_dma2 semaphore(%run_scoped3A : memref<!tpu.dma_semaphore, #tpu.memory_space<semaphore_mem>>) src(%arg10 : memref<80x128xi32, #tpu.memory_space<vmem>>) dst(%dma_wait3A_36 : memref<80x128xi32, #tpu.memory_space<hbm>>)
        tpu.yield
      }) : () -> ()
      "tpu.region"() ({
        %run_scoped3A = tpu.sem_alloc : memref<!tpu.dma_semaphore, #tpu.memory_space<semaphore_mem>>
        %dma_start3A_29 = arith.constant 0 : i32
        %dma_start3A_30 = tpu.memref_slice %arg7[%add3A_18, %dma_start3A_29] : memref<158720x128xi32, #tpu.memory_space<hbm>> -> memref<80x128xi32, #tpu.memory_space<hbm>>
        %dma_start3A_31 = arith.constant 0 : i32
        %dma_start3A_32 = tpu.memref_slice %arg7[%add3A_18, %dma_start3A_31] : memref<158720x128xi32, #tpu.memory_space<hbm>> -> memref<80x128xi32, #tpu.memory_space<hbm>>
        tpu.enqueue_dma source(%arg11 : memref<80x128xi32, #tpu.memory_space<vmem>>) target(%dma_start3A_32 : memref<80x128xi32, #tpu.memory_space<hbm>>) target_semaphore(%run_scoped3A : memref<!tpu.dma_semaphore, #tpu.memory_space<semaphore_mem>>)
        %dma_wait3A_33 = arith.constant 0 : i32
        %dma_wait3A_34 = tpu.memref_slice %arg7[%add3A_18, %dma_wait3A_33] : memref<158720x128xi32, #tpu.memory_space<hbm>> -> memref<80x128xi32, #tpu.memory_space<hbm>>
        %dma_wait3A_35 = arith.constant 0 : i32
        %dma_wait3A_36 = tpu.memref_slice %arg7[%add3A_18, %dma_wait3A_35] : memref<158720x128xi32, #tpu.memory_space<hbm>> -> memref<80x128xi32, #tpu.memory_space<hbm>>
        tpu.wait_dma2 semaphore(%run_scoped3A : memref<!tpu.dma_semaphore, #tpu.memory_space<semaphore_mem>>) src(%arg11 : memref<80x128xi32, #tpu.memory_space<vmem>>) dst(%dma_wait3A_36 : memref<80x128xi32, #tpu.memory_space<hbm>>)
        tpu.yield
      }) : () -> ()
    }
    %scan3A_10 = arith.constant 62 : i32
    return
  }
}

</mosaic_0001>

<sc_bundles>
// kernel: go.3.cloned.1.call-start
scs
__scs_entry_jumppad:
0x0: {  	(pc) =	sbr.rel $0x88, $3  }
0x1: {  	(tag) =	ssettag $0x0;
	lr =	simm.s32 $0x1  }
0x2: {  	[smem:$0x3F9D] =	sst lr;
	_ =	strace $0xD0000000  }
0x3: {  	_ = 	snop  }
0x4: {  	_ = 	snop  }
0x5: {  	_ = 	snop  }
0x6: {  	_ = 	snop  }
0x7: {  	_ = 	snop  }
__scs_overlays_trampoline_lowered:
0x8: {  	[smem:$0x3FAC] =	sst s0  }
0x9: {  	[smem:$0x3FAD] =	sst s1  }
0xa: {  	[smem:$0x3FAE] =	sst s2  }
0xb: {  	[smem:$0x3FAF] =	sst s3  }
0xc: {  	[smem:$0x3FB0] =	sst s4  }
0xd: {  	[smem:$0x3FB1] =	sst s5  }
0xe: {  	[smem:$0x3FB2] =	sst s6  }
0xf: {  	[smem:$0x3FB3] =	sst s7  }
0x10: {  	[smem:$0x3FB4] =	sst s8  }
0x11: {  	[smem:$0x3FB5] =	sst s9;
	s0 =	simm.s32 @!p0 $0x0  }
0x12: {  	s1 =	sld [smem:$0x3F9B];
	s0 =	simm.s32 @p0 $0x1  }
0x13: {  	[smem:$0x3FB6] =	sst s0;
	s0 =	simm.s32 @!p1 $0x0  }
0x14: {  	s2 =	sld [smem:$0x3F9A];
	s0 =	simm.s32 @p1 $0x1  }
0x15: {  	[smem:$0x3FB7] =	sst s0;
	s0 =	simm.s32 @!p2 $0x0  }
0x16: {  	s3 =	sld [smem:$0x3FDB];
	s0 =	simm.s32 @p2 $0x1  }
0x17: {  	s4 =	simm.s32 $0x1BF5;
	[smem:$0x3FB9] =	sst s0  }
0x18: {  	s0 =	sld [smem:$0x3F9C];
	_ =	swait.ge [sflag:s4], $0x0  }
0x19: {  	s7 =	sld [smem:$0x3F9D]  }
0x1a: {  	s8 =	sadd.s32 $0xFFFFE003, lr  }
0x1b: {  	s9 =	sadd.s32 $0xFFFFFEF7, lr;
	s5 =	simm.s32 $0xFFFFFFFF;
	p2 =	slt.u32 s8, $0xFFFFF086  }
0x1c: {  	p1 =	slt.u32 s9, $0xF7A;
	s5 =	simm.s32 @!p2 $0x0  }
0x1d: {  	s5 =	simm.s32 @p1 $0x1;
	p0 =	seq.s32 s7, s2  }
0x1e: {  	s7 =	smul.u32 @!p0 $0xF7A, s2;
	p2 =	seq.s32 @!p0 s5, $0x0  }
0x1f: {  	s9 =	smul.u32 $0xF7A, s1;
	s8 =	simm.s32 @!p0 $0x1BF5;
	p2 =	por !p2, p0  }
0x20: {  	[sflag:s8] =	ssyncset.s32 @!p0 $0xFFFFF086;
	s6 =	sadd.s32 @!p0 s3, s7;
	s7 =	simm.s32 @!p0 $0x108  }
0x21: {  	s3 =	sadd.s32 s3, s9;
	s6 =	sadd.s32 @!p0 $0x88, s6;
	s7 =	simm.s32 @p2 $0x1082  }
0x22: {  	[simem:s7], [sflag:s8] =	dma.local @!p0 [hbm:s6], $0xF7A  }
0x23: {  	s9 =	sor.u32 $0xD0000000, s2;
	s6 =	simm.s32 $0x108;
	_ =	swait.ge @!p0 [sflag:s8], $0x0  }
0x24: {  	s3 =	sadd.s32 $0x88, s3;
	s6 =	simm.s32 @!p1 $0x1082;
	[sflag:s4] =	ssyncset.s32 $0xFFFFF086  }
0x25: {  	[simem:s6], [sflag:s4] =	dma.local [hbm:s3], $0xF7A  }
0x26: {  	[smem:$0x3F9D] =	sst s1;
	(tag) =	ssettag s2;
	_ =	strace s9  }
0x27: {  	s1 =	sld [smem:$0x3FAD]  }
0x28: {  	s2 =	sld [smem:$0x3FAE]  }
0x29: {  	s4 =	sld [smem:$0x3FB0]  }
0x2a: {  	p0 =	seq.s32 s5, $0x0;
	s5 =	sld [smem:$0x3FB1]  }
0x2b: {  	s6 =	sld [smem:$0x3FB2]  }
0x2c: {  	s7 =	sld [smem:$0x3FB3]  }
0x2d: {  	s3 =	simm.s32 $0x108;
	s8 =	sld [smem:$0x3FB4]  }
0x2e: {  	s3 =	simm.s32 @!p0 $0x1082;
	s9 =	sld [smem:$0x3FB5]  }
0x2f: {  	lr =	sadd.s32 s0, s3;
	s0 =	sld [smem:$0x3FAC]  }
0x30: {  	s3 =	sld [smem:$0x3FAF]  }
0x31: {  	[smem:$0x3FB8] =	sst s10  }
0x32: {  	s10 =	sld [smem:$0x3FB6];
	_ =	sdelay $0x3  }
0x33: {  	p0 =	seq.s32 s10, $0x1;
	s10 =	sld [smem:$0x3FB8];
	_ =	sdelay $0x3  }
0x34: {  	[smem:$0x3FB8] =	sst s10  }
0x35: {  	s10 =	sld [smem:$0x3FB7];
	_ =	sdelay $0x3  }
0x36: {  	p1 =	seq.s32 s10, $0x1;
	s10 =	sld [smem:$0x3FB8];
	_ =	sdelay $0x3  }
0x37: {  	[smem:$0x3FB8] =	sst s10  }
0x38: {  	s10 =	sld [smem:$0x3FB9]  }
0x39: {  	_ = 	snop;
	(pc) =	sbr.ind lr, $3  }
0x3a: {  	_ = 	snop  }
0x3b: {  	_ = 	snop  }
0x3c: {  	p2 =	seq.s32 s10, $0x1;
	s10 =	sld [smem:$0x3FB8]  }
0x3d: {  	_ =	shalt  }
0x3e: {  	_ =	shalt  }
0x3f: {  	_ =	shalt  }
0x40: {  	_ =	shalt  }
0x41: {  	_ =	shalt  }
0x42: {  	_ =	shalt  }
0x43: {  	_ =	shalt  }
0x44: {  	_ =	shalt  }
0x45: {  	_ =	shalt  }
0x46: {  	_ =	shalt  }
0x47: {  	_ =	shalt  }
0x48: {  	_ =	shalt  }
0x49: {  	_ =	shalt  }
0x4a: {  	_ =	shalt  }
0x4b: {  	_ =	shalt  }
0x4c: {  	_ =	shalt  }
0x4d: {  	_ =	shalt  }
0x4e: {  	_ =	shalt  }
0x4f: {  	_ =	shalt  }
0x50: {  	_ =	shalt  }
0x51: {  	_ =	shalt  }
0x52: {  	_ =	shalt  }
0x53: {  	_ =	shalt  }
0x54: {  	_ =	shalt  }
0x55: {  	_ =	shalt  }
0x56: {  	_ =	shalt  }
0x57: {  	_ =	shalt  }
0x58: {  	_ =	shalt  }
0x59: {  	_ =	shalt  }
0x5a: {  	_ =	shalt  }
0x5b: {  	_ =	shalt  }
0x5c: {  	_ =	shalt  }
0x5d: {  	_ =	shalt  }
0x5e: {  	_ =	shalt  }
0x5f: {  	_ =	shalt  }
0x60: {  	_ =	shalt  }
0x61: {  	_ =	shalt  }
0x62: {  	_ =	shalt  }
0x63: {  	_ =	shalt  }
0x64: {  	_ =	shalt  }
0x65: {  	_ =	shalt  }
0x66: {  	_ =	shalt  }
0x67: {  	_ =	shalt  }
0x68: {  	_ =	shalt  }
0x69: {  	_ =	shalt  }
0x6a: {  	_ =	shalt  }
0x6b: {  	_ =	shalt  }
0x6c: {  	_ =	shalt  }
0x6d: {  	_ =	shalt  }
0x6e: {  	_ =	shalt  }
0x6f: {  	_ =	shalt  }
0x70: {  	_ =	shalt  }
0x71: {  	_ =	shalt  }
0x72: {  	_ =	shalt  }
0x73: {  	_ =	shalt  }
0x74: {  	_ =	shalt  }
0x75: {  	_ =	shalt  }
0x76: {  	_ =	shalt  }
0x77: {  	_ =	shalt  }
0x78: {  	_ =	shalt  }
0x79: {  	_ =	shalt  }
0x7a: {  	_ =	shalt  }
0x7b: {  	_ =	shalt  }
0x7c: {  	_ =	shalt  }
0x7d: {  	_ =	shalt  }
0x7e: {  	_ =	shalt  }
0x7f: {  	_ =	shalt  }
0x80: {  	_ =	shalt  }
0x81: {  	_ =	shalt  }
0x82: {  	_ =	shalt  }
0x83: {  	_ =	shalt  }
0x84: {  	_ =	shalt  }
0x85: {  	_ =	shalt  }
0x86: {  	_ =	shalt  }
0x87: {  	_ =	shalt  }
.Lfunc_end0:
.L_simem_size_0:
called_computation_lowered:
.L_overlay_start_0:
0x88: {  	s2 =	sld [smem:$0x3FD9]  }
0x89: {  	s3 =	sld [smem:$0x3FFE];
	_ =	sdelay $0x1  }
0x8a: {  	s1 =	srdreg.scid  }
0x8b: {  	s0 =	sand.u32 $0x1, s1  }
0x8c: {  	s15 =	sshll.u32 s0, $0xA;
	s2 =	sadd.s32 s3, s2  }
0x8d: {  	s2 =	sadd.s32 s2, s15  }
0x8e: {  	[smem:$0x3FC4] =	sst s2  }
0x8f: {  	_ = 	snop  }
0x90: {  	s2 =	sld [smem:$0x3FC9]  }
0x91: {  	s16 =	sld [smem:$0x3FD0]  }
0x92: {  	s4 =	sld [smem:$0x3FC8]  }
0x93: {  	s5 =	sld [smem:$0x3FC7]  }
0x94: {  	s7 =	simm.s32 $0xA;
	s8 =	simm.s32 $0x10;
	s6 =	sld [smem:$0x3FC6]  }
0x95: {  	[smem:s8], [sflag:s7] =	dma.local [hbm:s16], $0x1  }
0x96: {  	_ =	swait.eq [sflag:s7], $0x1  }
0x97: {  	[sflag:s7] =	ssyncset.done $0x0  }
0x98: {  	s17 =	sld [smem:$0x10];
	[sflag:s7] =	ssyncadd.s32 $0xFFFFFFFF  }
0x99: {  	s18 =	sld [smem:$0x11];
	(tm) =	ssettm $0x1  }
0x9a: {  	s19 =	sld [smem:$0x3FFB];
	_ =	sdelay $0x3  }
0x9b: {  	_ =	strace s19  }
0x9c: {  	s8 =	sld [smem:$0x3FFC];
	_ =	sdelay $0x3  }
0x9d: {  	_ =	strace s8  }
0x9e: {  	s8 =	sld [smem:$0x3FFD];
	_ =	sdelay $0x3  }
0x9f: {  	_ =	strace s8  }
0xa0: {  	_ =	strace $0x8FFFFFFF  }
0xa1: {  	s20 =	sld [smem:$0x3FDB];
	_ =	sdelay $0x1  }
0xa2: {  	s9 =	simm.s32 $_scs_section_size  }
0xa3: {  	s10 =	simm.s32 $_size__tile_overlayer_lowered;
	s11 =	simm.s32 $_tile_overlayer_lowered  }
0xa4: {  	s23 =	simm.s32 $0x1BFF;
	s22 =	sshll.u32 s11, $0x1;
	s8 =	sadd.s32 s9, s20  }
0xa5: {  	s12 =	simm.s32 $0x0;
	s21 =	sshll.u32 s10, $0x1;
	s10 =	sadd.s32 s22, s8  }
0xa6: {  	[timem:s12], [sflag:s23] =	dma.local [hbm:s10], s21  }
0xa7: {  	_ =	swait.ge [sflag:s23], s21  }
0xa8: {  	s9 =	ssub.s32 $0x0, s21;
	[sflag:s23] =	ssyncset.done $0x0  }
0xa9: {  	[sflag:s23] =	ssyncadd.s32 s9;
	_ =	sdelay $0x1  }
0xaa: {  	s24 =	simm.s32 $0x1B8B  }
0xab: {  	_ =	swait.ge [sflag:s24], $0x1  }
0xac: {  	[sflag:s24] =	ssyncset.done $0x0  }
0xad: {  	s25 =	simm.s32 $0x1B8E;
	[sflag:s24] =	ssyncadd.s32 $0xFFFFFFFF  }
0xae: {  	s26 =	simm.s32 $execute0_lowered;
	[smem:$0x3FD2] =	sst s25  }
0xaf: {  	s9 =	sshll.u32 s26, $0x1;
	_ =	strace $0x80000046;
	[dreg:$0x1] =	wrdreg $0xFFFFFFFF  }
0xb0: {  	s28 =	simm.s32 $_size_execute0_lowered;
	s8 =	sadd.s32 s8, s9;
	[dreg:$0x0] =	wrdreg $0x0  }
0xb1: {  	s9 =	sshll.u32 s28, $0x1;
	[dreg:$0x2] =	wrdreg s8  }
0xb2: {  	[dreg:$0x3] =	wrdreg s9  }
0xb3: {  	[dreg:$0x4] =	wrdreg $0xC0  }
0xb4: {  	_ =	task [dreg:s12], $0x5FFFF  }
0xb5: {  	[dreg:$0x1] =	wrdreg $0xFFFFFFFF  }
0xb6: {  	[dreg:$0x0] =	wrdreg $0x60  }
0xb7: {  	[dreg:$0x2] =	wrdreg s2  }
0xb8: {  	[dreg:$0x3] =	wrdreg s4  }
0xb9: {  	[dreg:$0x4] =	wrdreg s5  }
0xba: {  	[dreg:$0x5] =	wrdreg s6  }
0xbb: {  	[dreg:$0x6] =	wrdreg s17  }
0xbc: {  	[dreg:$0x7] =	wrdreg s18  }
0xbd: {  	[dreg:$0x8] =	wrdreg $0x51000  }
0xbe: {  	[dreg:$0x9] =	wrdreg $0x9  }
0xbf: {  	_ =	task.clear_ibuf [dreg:s12], $0xAFFFF;
	_ =	strace $0x90000046  }
0xc0: {  	s29 =	simm.s32 $0x9;
	_ =	strace $0x80000048  }
0xc1: {  	_ =	swait.ge [sflag:s29], $0x1  }
0xc2: {  	[sflag:s29] =	ssyncadd.s32 $0xFFFFFFFF  }
0xc3: {  	_ =	strace $0x90000048  }
0xc4: {  	_ =	sfence  }
0xc5: {  	s30 =	sld [smem:$0x0];
	_ =	sdelay $0x2  }
0xc6: {  	s31 =	sshll.u32 s1, $0xD;
	s1 =	sshrl.u32 s1, $0x2  }
0xc7: {  	s3 =	sand.u32 $0x4000, s31;
	s1 =	sadd.s32 s1, s30  }
0xc8: {  	s0 =	sor.u32 s3, s0;
	s1 =	sshll.u32 s1, $0x11  }
0xc9: {  	s0 =	sor.u32 s1, s0  }
0xca: {  	s0 =	sadd.s32 $0x8F2B, s0  }
0xcb: {  	[sflag:s0] =	ssyncadd.remote.s32 $0x1  }
0xcc: {  	_ =	sfence.sel $0xFFFF  }
0xcd: {  	[dreg:$0x0] =	wrdreg $0xFFFFFFFF;
	(pc) =	sbr.abs _section_cstart, $3  }
0xce: {  	[dreg:$0x1] =	wrdreg $0xFFFFFFFF  }
0xcf: {  	_ =	task.clear_ibuf [dreg:s12], $0x2FFFF;
	_ =	strace $0x9FFFFFFF  }
0xd0: {  	(tm) =	ssettm $0x7FFFFFFF  }
0xd1: {  	_ =	shalt  }
tec
execute0_lowered:
.L_overlay_start_1:
0x0: {  	(tag) =	ssettag $0x1  }
0x1: {  	s5 =	rddreg [dreg:$0x0]  }
0x2: {  	s1 =	rddreg [dreg:$0x1]  }
0x3: {  	s11 =	rddreg [dreg:$0x2]  }
0x4: {  	s10 =	rddreg [dreg:$0x3]  }
0x5: {  	s8 =	rddreg [dreg:$0x4]  }
0x6: {  	s9 =	rddreg [dreg:$0x5]  }
0x7: {  	s3 =	rddreg [dreg:$0x6];
	s2 =	stileid.u32  }
0x8: {  	s0 =	rddreg [dreg:$0x7];
	s26 =	smul.u32 $0x50000, s2  }
0x9: {  	s6 =	srdreg.scid;
	s4 =	simm.s32 $0x0;
	s13 =	smul.u32 $0x2800, s2  }
0xa: {  	s18 =	simm.s32 $0x1;
	s19 =	simm.s32 $0x2;
	s15 =	smul.u32 $0x26C00, s2  }
0xb: {  	s20 =	simm.s32 $0x0;
	s7 =	sand.u32 $0x1, s6;
	s28 =	smul.u32 $0x26C0, s2  }
0xc: {  	[smem:$0x7FF] =	sst s4;
	s29 =	sshll.u32 s2, $0x6;
	s17 =	smul.u32 $0x1360, s7  }
0xd: {  	s12 =	ssub.s32 $0x2, s7;
	_ =	strace $0x80000047;
	s30 =	smul.u32 $0x13600, s7  }
0xe: {  	s14 =	sshrl.u32 s12, $0x1;
	s6 =	sshrl.u32 s26, $0x2;
	s5 =	sadd.s32 s5, s13  }
0xf: {  	s8 =	sadd.s32 s15, s8;
	s9 =	sadd.s32 s15, s9;
	s13 =	simm.s32 $0x3  }
0x10: {  	s15 =	simm.s32 $0x50;
	s12 =	ssub.s32 s12, s14;
	s16 =	sadd.s32 s6, s3  }
0x11: {  	s6 =	sor.u32 $0x1C03, s29;
	s31 =	sadd.s32 s17, s28;
	s8 =	sadd.s32 s30, s8  }
0x12: {  	s9 =	sadd.s32 s30, s9;
	s7 =	smax.u32 s12, $0x1;
	s12 =	sshrl.u32 s31, $0x3  }
0x13: {  	s14 =	simm.s32 $0x80;
	s17 =	simm.s32 $0x2900;
	s10 =	sadd.s32 s12, s10  }
0x14: {  	s11 =	sadd.s32 s12, s11;
	s12 =	sshrl.u32 s16, $0x3;
	s16 =	simm.s32 $0x100  }
.LBB2_1:
0x15: {  	[spmem:s12], [sflag:s6] =	dma.local [hbm:s5], $0x2800  }
0x16: {  	_ =	swait.ge [sflag:s13], $0x2800  }
0x17: {  	[sflag:s13] =	ssyncset.done $0x0  }
0x18: {  	[sflag:s13] =	ssyncadd.s32 $0xFFFFD800  }
0x19: {  	s21 =	sadd.s32 $0x0, s11;
	[bflag:$0x0] =	sbarrier.arrive $0xFFFF  }
0x1a: {  	[tilespmem:s4], [sflag:$0x3] =	stream.linear.gather [hbm4b:s21+s4], $0x50, $0x38;
	[tilespmem:$0x19100] =	vst v63  }
0x1b: {  	_ =	swait.ge [sflag:s13], $0x50  }
0x1c: {  	[sflag:s13] =	ssyncset.done $0x0  }
0x1d: {  	s31 =	sadd.s32 $0x0, s10;
	[sflag:s13] =	ssyncadd.s32 $0xFFFFFFB0  }
0x1e: {  	[tilespmem:s14], [sflag:$0x3] =	stream.linear.gather [hbm4b:s31+s4], $0x50, $0x38;
	[tilespmem:$0x19100] =	vst v63  }
0x1f: {  	_ =	swait.ge [sflag:s13], $0x50  }
0x20: {  	[sflag:s13] =	ssyncset.done $0x0  }
0x21: {  	[sflag:s13] =	ssyncadd.s32 $0xFFFFFFB0  }
0x22: {  	[tilespmem:s16], [sflag:$0x1] =	stream.indirect.gather [spmem:s3], $0x80, s4, s15, $0xb8;
	[tilespmem:$0x19100] =	vst v63  }
0x23: {  	_ = 	snop  }
0x24: {  	[tilespmem:s17], [sflag:$0x2] =	stream.indirect.gather [hbm4b:s1+s15], $0x80, s14, s15, $0xb8;
	[tilespmem:$0x19100] =	vst v63  }
0x25: {  	_ =	swait.ge [sflag:s18], $0x2800  }
0x26: {  	[sflag:s18] =	ssyncset.done $0x0  }
0x27: {  	[sflag:s18] =	ssyncadd.s32 $0xFFFFD800  }
0x28: {  	_ =	swait.ge [sflag:s19], $0x2800  }
0x29: {  	[sflag:s19] =	ssyncset.done $0x0  }
0x2a: {  	[sflag:s19] =	ssyncadd.s32 $0xFFFFD800  }
0x2b: {  	[hbm4b:s8+s4] =	stream.linear.scatter [tilespmem:s16], [sflag:$0x3], $0x2800, $0x38;
	[tilespmem:$0x19100] =	vst v63  }
0x2c: {  	_ =	swait.ge [sflag:s13], $0x2800  }
0x2d: {  	[sflag:s13] =	ssyncset.done $0x0  }
0x2e: {  	[sflag:s13] =	ssyncadd.s32 $0xFFFFD800  }
0x2f: {  	[hbm4b:s9+s4] =	stream.linear.scatter [tilespmem:s17], [sflag:$0x3], $0x2800, $0x38;
	[tilespmem:$0x19100] =	vst v63  }
0x30: {  	s23 =	simm.s32 $0xA;
	s24 =	simm.s32 $0x14;
	_ =	swait.ge [sflag:s13], $0x2800  }
0x31: {  	s22 =	sadd.s32 $0x500, s8;
	s21 =	sadd.s32 $0x500, s9;
	[sflag:s13] =	ssyncset.done $0x0  }
.LBB2_2:
0x32: {  	s25 =	sadd.s32 s23, s11  }
0x33: {  	[sflag:s13] =	ssyncadd.s32 $0xFFFFD800;
	s26 =	smov.u32 s24;
	s28 =	sadd.s32 $0xA, s24  }
0x34: {  	[tilespmem:s4], [sflag:$0x3] =	stream.linear.gather [hbm4b:s25+s4], $0x50, $0x38;
	[tilespmem:$0x19100] =	vst v63  }
0x35: {  	p0 =	sne.s32 s24, $0x262;
	_ =	swait.ge [sflag:s13], $0x50  }
0x36: {  	[sflag:s13] =	ssyncset.done $0x0  }
0x37: {  	s24 =	sadd.s32 s23, s10;
	s23 =	smov.u32 s26;
	[sflag:s13] =	ssyncadd.s32 $0xFFFFFFB0  }
0x38: {  	[tilespmem:s14], [sflag:$0x3] =	stream.linear.gather [hbm4b:s24+s4], $0x50, $0x38;
	[tilespmem:$0x19100] =	vst v63  }
0x39: {  	_ =	swait.ge [sflag:s13], $0x50  }
0x3a: {  	[sflag:s13] =	ssyncset.done $0x0  }
0x3b: {  	[sflag:s13] =	ssyncadd.s32 $0xFFFFFFB0  }
0x3c: {  	[tilespmem:s16], [sflag:$0x1] =	stream.indirect.gather [spmem:s3], $0x80, s4, s15, $0xb8;
	[tilespmem:$0x19100] =	vst v63  }
0x3d: {  	_ = 	snop  }
0x3e: {  	[tilespmem:s17], [sflag:$0x2] =	stream.indirect.gather [hbm4b:s1+s15], $0x80, s14, s15, $0xb8;
	[tilespmem:$0x19100] =	vst v63  }
0x3f: {  	_ =	swait.ge [sflag:s18], $0x2800  }
0x40: {  	[sflag:s18] =	ssyncset.done $0x0  }
0x41: {  	[sflag:s18] =	ssyncadd.s32 $0xFFFFD800  }
0x42: {  	_ =	swait.ge [sflag:s19], $0x2800  }
0x43: {  	[sflag:s19] =	ssyncset.done $0x0  }
0x44: {  	[sflag:s19] =	ssyncadd.s32 $0xFFFFD800  }
0x45: {  	[hbm4b:s22+s4] =	stream.linear.scatter [tilespmem:s16], [sflag:$0x3], $0x2800, $0x38;
	[tilespmem:$0x19100] =	vst v63  }
0x46: {  	_ =	swait.ge [sflag:s13], $0x2800  }
.Ltmp0:
0x47: {  	[sflag:s13] =	ssyncset.done $0x0;
	(pc) =	sbr.rel @p0 .LBB2_2-.Ltmp0, $4  }
0x48: {  	[sflag:s13] =	ssyncadd.s32 $0xFFFFD800  }
0x49: {  	[hbm4b:s21+s4] =	stream.linear.scatter [tilespmem:s17], [sflag:$0x3], $0x2800, $0x38;
	[tilespmem:$0x19100] =	vst v63  }
0x4a: {  	s24 =	smov.u32 s28;
	_ =	swait.ge [sflag:s13], $0x2800  }
0x4b: {  	s22 =	sadd.s32 $0x500, s22;
	s21 =	sadd.s32 $0x500, s21;
	[sflag:s13] =	ssyncset.done $0x0  }
0x4c: {  	s24 =	sadd.s32 s23, s11;
	[sflag:s13] =	ssyncadd.s32 $0xFFFFD800  }
0x4d: {  	[tilespmem:s4], [sflag:$0x3] =	stream.linear.gather [hbm4b:s24+s4], $0x50, $0x38;
	[tilespmem:$0x19100] =	vst v63  }
0x4e: {  	_ =	swait.ge [sflag:s13], $0x50  }
0x4f: {  	[sflag:s13] =	ssyncset.done $0x0  }
0x50: {  	s31 =	sadd.s32 s23, s10;
	[sflag:s13] =	ssyncadd.s32 $0xFFFFFFB0  }
0x51: {  	[tilespmem:s14], [sflag:$0x3] =	stream.linear.gather [hbm4b:s31+s4], $0x50, $0x38;
	[tilespmem:$0x19100] =	vst v63  }
0x52: {  	_ =	swait.ge [sflag:s13], $0x50  }
0x53: {  	[sflag:s13] =	ssyncset.done $0x0  }
0x54: {  	[sflag:s13] =	ssyncadd.s32 $0xFFFFFFB0  }
0x55: {  	[tilespmem:s16], [sflag:$0x1] =	stream.indirect.gather [spmem:s3], $0x80, s4, s15, $0xb8;
	[tilespmem:$0x19100] =	vst v63  }
0x56: {  	_ = 	snop  }
0x57: {  	[tilespmem:s17], [sflag:$0x2] =	stream.indirect.gather [hbm4b:s1+s15], $0x80, s14, s15, $0xb8;
	[tilespmem:$0x19100] =	vst v63  }
0x58: {  	_ =	swait.ge [sflag:s18], $0x2800  }
0x59: {  	[sflag:s18] =	ssyncset.done $0x0  }
0x5a: {  	[sflag:s18] =	ssyncadd.s32 $0xFFFFD800  }
0x5b: {  	_ =	swait.ge [sflag:s19], $0x2800  }
0x5c: {  	[sflag:s19] =	ssyncset.done $0x0  }
0x5d: {  	[sflag:s19] =	ssyncadd.s32 $0xFFFFD800  }
0x5e: {  	[hbm4b:s22+s4] =	stream.linear.scatter [tilespmem:s16], [sflag:$0x3], $0x2800, $0x38;
	[tilespmem:$0x19100] =	vst v63  }
0x5f: {  	s20 =	sadd.s32 $0x1, s20;
	_ =	swait.ge [sflag:s13], $0x2800  }
0x60: {  	p0 =	sne.s32 s20, s7;
	[sflag:s13] =	ssyncset.done $0x0  }
.Ltmp1:
0x61: {  	[sflag:s13] =	ssyncadd.s32 $0xFFFFD800;
	(pc) =	sbr.rel @p0 .LBB2_1-.Ltmp1, $4  }
0x62: {  	[hbm4b:s21+s4] =	stream.linear.scatter [tilespmem:s17], [sflag:$0x3], $0x2800, $0x38;
	[tilespmem:$0x19100] =	vst v63  }
0x63: {  	_ =	swait.ge [sflag:s13], $0x2800  }
0x64: {  	[sflag:s13] =	ssyncset.done $0x0  }
0x65: {  	[sflag:s13] =	ssyncadd.s32 $0xFFFFD800  }
0x66: {  	_ =	sfence.sel $0x180000  }
0x67: {  	[bflag:$0x0] =	sbarrier.arrive $0xFFFF  }
0x68: {  	p0 =	sne.s32 s2, $0x0;
	_ =	strace $0x90000047  }
0x69: {  	s0 =	sadd.s32 @!p0 $0x100000, s0;
	[bflag:$0x2] =	sbarrier.arrive $0xFFFF  }
0x6a: {  	[sflag:s0] =	ssyncadd.tile.s32 @!p0 $0x1;
	_ =	shalt  }
.Lfunc_end2:
_tile_overlayer_lowered:
.L_overlay_start_2:
0x6b: {  	(tag) =	ssettag $0x2  }
0x6c: {  	s0 =	rddreg [dreg:$0x0];
	s2 =	stileid.u32  }
0x6d: {  	s1 =	rddreg [dreg:$0x1];
	p0 =	sne.s32 s2, $0x0  }
0x6e: {  	s3 =	rddreg [dreg:$0x2];
	[bflag:$0x3] =	sbarrier.arrive $0xFFFF;
	s2 =	simm.s32 @!p0 $0x1C03  }
0x6f: {  	[timem:s3], [sflag:s2] =	dma.local @!p0 [hbm:s0], s1  }
0x70: {  	s0 =	simm.s32 @!p0 $0x3  }
0x71: {  	_ =	swait.ge @!p0 [sflag:s0], s1  }
0x72: {  	s1 =	ssub.s32 @!p0 $0x0, s1;
	[sflag:s0] =	ssyncset.done @!p0 $0x0  }
0x73: {  	[sflag:s0] =	ssyncadd.s32 @!p0 s1  }
0x74: {  	[bflag:$0x3] =	sbarrier.arrive $0xFFFF  }
0x75: {  	_ =	shalt  }

</sc_bundles>
